<compile_context>
chip_gen: v7x
topology: tpu7x:2x2x1
jax: 0.10.2.dev20260603
libtpu: 0.0.44.dev20260713+nightly
codegen_flags: <defaults>
</compile_context>

<pallas_src>
import jax
import jax.numpy as jnp
from jax.experimental import pallas as pl
from jax.experimental.pallas import tpu as pltpu
from jax.experimental.pallas import tpu_sc as plsc

_SC_CORES = 2
_SC_SUBCORES = 16
_SC_CHUNK_ROWS = 32
_SC_NBUF = 3


def kernel(inputs, embeddings):
    seq_len = inputs.shape[1]
    emb_dim = embeddings.shape[1]
    table = embeddings[:seq_len, :]
    workers = _SC_CORES * _SC_SUBCORES
    rows_per_tec = seq_len // workers
    ch = min(_SC_CHUNK_ROWS, rows_per_tec)
    nch = rows_per_tec // ch
    mesh = plsc.VectorSubcoreMesh(
        core_axis_name="core", subcore_axis_name="subcore")

    @pl.kernel(
        out_type=jax.ShapeDtypeStruct((seq_len, emb_dim), table.dtype),
        mesh=mesh,
        scratch_types=[
            pltpu.VMEM((_SC_NBUF, ch, emb_dim), table.dtype),
            pltpu.SemaphoreType.DMA((_SC_NBUF,)),
            pltpu.SemaphoreType.DMA((_SC_NBUF,)),
        ],
    )
    def sc_copy(x_hbm, o_hbm, buf, isem, osem):
        core = jax.lax.axis_index("core")
        sub = jax.lax.axis_index("subcore")
        base = (core * _SC_SUBCORES + sub) * rows_per_tec

        def in_copy(k, slot):
            return pltpu.make_async_copy(
                x_hbm.at[pl.ds(base + k * ch, ch)], buf.at[slot],
                isem.at[slot])

        def out_copy(k, slot):
            return pltpu.make_async_copy(
                buf.at[slot], o_hbm.at[pl.ds(base + k * ch, ch)],
                osem.at[slot])

        nbuf = min(_SC_NBUF, nch)
        for s in range(nbuf):
            in_copy(s, s).start()
        for k in range(nch):
            slot = k % nbuf
            in_copy(k, slot).wait()
            out_copy(k, slot).start()
            if k + nbuf < nch:
                out_copy(k, slot).wait()
                in_copy(k + nbuf, slot).start()
        for k in range(max(0, nch - nbuf), nch):
            out_copy(k, k % nbuf).wait()

    return sc_copy(table)[None]

# --- scband reference (transcript-rebuilt; emitter-appended) ---
"""Pipeline reference for scband-positional-embedding-40303973106249 (READ-ONLY COPY).

The authoritative reference and input builder live on the scoring server;
editing this copy changes nothing except your own understanding.
"""

import jax, jax.numpy as jnp
import numpy as np

NUM_EMBEDDINGS = 4096
EMBEDDING_DIM = 1024

def setup_inputs(seed: int = 0) -> dict:
    key = jax.random.key(seed)
    k1, k2 = jax.random.split(key)
    inputs = jax.random.normal(k1, (4, 4096, 1024), dtype=jnp.float32)
    # tf.random_uniform_initializer default: uniform in [-0.05, 0.05]
    embeddings = jax.random.uniform(k2, (NUM_EMBEDDINGS, EMBEDDING_DIM), dtype=jnp.float32, minval=-0.05, maxval=0.05)
    return {"inputs": inputs, "embeddings": embeddings}

def reference(inputs, embeddings):
    seq_len = inputs.shape[1]
    return jnp.expand_dims(embeddings[:seq_len, :], axis=0)

if __name__ == "__main__":
    import jax
    _d = setup_inputs()
    print(jax.jit(kernel)(*tuple(_d.values())))

</pallas_src>

<mosaic_0001>
#map = affine_map<(d0, d1) -> (0, 0)>
module attributes {stable_mosaic.version = 14 : i64} {
  func.func @sc_copy(%arg0: i32, %arg1: i32, %arg2: memref<4096x1024xf32, #tpu.memory_space<hbm>>, %arg3: memref<4096x1024xf32, #tpu.memory_space<hbm>>, %arg4: memref<3x32x1024xf32, #tpu.memory_space<vmem>>, %arg5: memref<3x!tpu.dma_semaphore, #tpu.memory_space<semaphore_mem>>, %arg6: memref<3x!tpu.dma_semaphore, #tpu.memory_space<semaphore_mem>>) attributes {dimension_semantics = [#tpu.dimension_semantics<core_parallel>, #tpu.dimension_semantics<subcore_parallel>], iteration_bounds = array<i64: 2, 16>, scalar_prefetch = 0 : i64, scratch_operands = 3 : i64, tpu.core_type = #tpu.core_type<sc_vector_subcore>, window_params = [{transform_indices = #map}, {transform_indices = #map}]} {
    %mul3A = arith.constant 16 : i32
    %mul3A_0 = arith.muli %arg0, %mul3A : i32
    %add3A = arith.addi %mul3A_0, %arg1 : i32
    %mul3A_1 = arith.constant 128 : i32
    %mul3A_2 = arith.muli %add3A, %mul3A_1 : i32
    %add3A_3 = arith.constant 0 : i32
    %add3A_4 = arith.addi %mul3A_2, %add3A_3 : i32
    %dma_start3A = arith.constant 0 : i32
    %dma_start3A_5 = arith.constant 0 : i32
    %dma_start3A_6 = arith.constant 0 : i32
    %dma_start3A_7 = arith.constant 0 : i32
    %dma_start3A_8 = tpu.memref_slice %arg4[%dma_start3A, %dma_start3A_6, %dma_start3A_7] : memref<3x32x1024xf32, #tpu.memory_space<vmem>> -> memref<1x32x1024xf32, #tpu.memory_space<vmem>>
    %dma_start3A_9 = tpu.memref_squeeze %dma_start3A_8 : memref<1x32x1024xf32, #tpu.memory_space<vmem>> -> memref<32x1024xf32, #tpu.memory_space<vmem>>
    %dma_start3A_10 = arith.constant 0 : i32
    %dma_start3A_11 = tpu.memref_slice %arg2[%add3A_4, %dma_start3A_10] : memref<4096x1024xf32, #tpu.memory_space<hbm>> -> memref<32x1024xf32, #tpu.memory_space<hbm>>
    %dma_start3A_12 = tpu.memref_slice %arg5[%dma_start3A_5] : memref<3x!tpu.dma_semaphore, #tpu.memory_space<semaphore_mem>> -> memref<1x!tpu.dma_semaphore, #tpu.memory_space<semaphore_mem>>
    %dma_start3A_13 = tpu.memref_squeeze %dma_start3A_12 : memref<1x!tpu.dma_semaphore, #tpu.memory_space<semaphore_mem>> -> memref<!tpu.dma_semaphore, #tpu.memory_space<semaphore_mem>>
    %dma_start3A_14 = arith.constant 0 : i32
    %dma_start3A_15 = arith.constant 0 : i32
    %dma_start3A_16 = tpu.memref_slice %arg4[%dma_start3A, %dma_start3A_14, %dma_start3A_15] : memref<3x32x1024xf32, #tpu.memory_space<vmem>> -> memref<1x32x1024xf32, #tpu.memory_space<vmem>>
    %dma_start3A_17 = tpu.memref_squeeze %dma_start3A_16 : memref<1x32x1024xf32, #tpu.memory_space<vmem>> -> memref<32x1024xf32, #tpu.memory_space<vmem>>
    %dma_start3A_18 = arith.constant 0 : i32
    %dma_start3A_19 = tpu.memref_slice %arg2[%add3A_4, %dma_start3A_18] : memref<4096x1024xf32, #tpu.memory_space<hbm>> -> memref<32x1024xf32, #tpu.memory_space<hbm>>
    tpu.enqueue_dma source(%dma_start3A_19 : memref<32x1024xf32, #tpu.memory_space<hbm>>) target(%dma_start3A_17 : memref<32x1024xf32, #tpu.memory_space<vmem>>) target_semaphore(%dma_start3A_13 : memref<!tpu.dma_semaphore, #tpu.memory_space<semaphore_mem>>)
    %add3A_20 = arith.constant 32 : i32
    %add3A_21 = arith.addi %mul3A_2, %add3A_20 : i32
    %dma_start3A_22 = arith.constant 1 : i32
    %dma_start3A_23 = arith.constant 1 : i32
    %dma_start3A_24 = arith.constant 0 : i32
    %dma_start3A_25 = arith.constant 0 : i32
    %dma_start3A_26 = tpu.memref_slice %arg4[%dma_start3A_22, %dma_start3A_24, %dma_start3A_25] : memref<3x32x1024xf32, #tpu.memory_space<vmem>> -> memref<1x32x1024xf32, #tpu.memory_space<vmem>>
    %dma_start3A_27 = tpu.memref_squeeze %dma_start3A_26 : memref<1x32x1024xf32, #tpu.memory_space<vmem>> -> memref<32x1024xf32, #tpu.memory_space<vmem>>
    %dma_start3A_28 = arith.constant 0 : i32
    %dma_start3A_29 = tpu.memref_slice %arg2[%add3A_21, %dma_start3A_28] : memref<4096x1024xf32, #tpu.memory_space<hbm>> -> memref<32x1024xf32, #tpu.memory_space<hbm>>
    %dma_start3A_30 = tpu.memref_slice %arg5[%dma_start3A_23] : memref<3x!tpu.dma_semaphore, #tpu.memory_space<semaphore_mem>> -> memref<1x!tpu.dma_semaphore, #tpu.memory_space<semaphore_mem>>
    %dma_start3A_31 = tpu.memref_squeeze %dma_start3A_30 : memref<1x!tpu.dma_semaphore, #tpu.memory_space<semaphore_mem>> -> memref<!tpu.dma_semaphore, #tpu.memory_space<semaphore_mem>>
    %dma_start3A_32 = arith.constant 0 : i32
    %dma_start3A_33 = arith.constant 0 : i32
    %dma_start3A_34 = tpu.memref_slice %arg4[%dma_start3A_22, %dma_start3A_32, %dma_start3A_33] : memref<3x32x1024xf32, #tpu.memory_space<vmem>> -> memref<1x32x1024xf32, #tpu.memory_space<vmem>>
    %dma_start3A_35 = tpu.memref_squeeze %dma_start3A_34 : memref<1x32x1024xf32, #tpu.memory_space<vmem>> -> memref<32x1024xf32, #tpu.memory_space<vmem>>
    %dma_start3A_36 = arith.constant 0 : i32
    %dma_start3A_37 = tpu.memref_slice %arg2[%add3A_21, %dma_start3A_36] : memref<4096x1024xf32, #tpu.memory_space<hbm>> -> memref<32x1024xf32, #tpu.memory_space<hbm>>
    tpu.enqueue_dma source(%dma_start3A_37 : memref<32x1024xf32, #tpu.memory_space<hbm>>) target(%dma_start3A_35 : memref<32x1024xf32, #tpu.memory_space<vmem>>) target_semaphore(%dma_start3A_31 : memref<!tpu.dma_semaphore, #tpu.memory_space<semaphore_mem>>)
    %add3A_38 = arith.constant 64 : i32
    %add3A_39 = arith.addi %mul3A_2, %add3A_38 : i32
    %dma_start3A_40 = arith.constant 2 : i32
    %dma_start3A_41 = arith.constant 2 : i32
    %dma_start3A_42 = arith.constant 0 : i32
    %dma_start3A_43 = arith.constant 0 : i32
    %dma_start3A_44 = tpu.memref_slice %arg4[%dma_start3A_40, %dma_start3A_42, %dma_start3A_43] : memref<3x32x1024xf32, #tpu.memory_space<vmem>> -> memref<1x32x1024xf32, #tpu.memory_space<vmem>>
    %dma_start3A_45 = tpu.memref_squeeze %dma_start3A_44 : memref<1x32x1024xf32, #tpu.memory_space<vmem>> -> memref<32x1024xf32, #tpu.memory_space<vmem>>
    %dma_start3A_46 = arith.constant 0 : i32
    %dma_start3A_47 = tpu.memref_slice %arg2[%add3A_39, %dma_start3A_46] : memref<4096x1024xf32, #tpu.memory_space<hbm>> -> memref<32x1024xf32, #tpu.memory_space<hbm>>
    %dma_start3A_48 = tpu.memref_slice %arg5[%dma_start3A_41] : memref<3x!tpu.dma_semaphore, #tpu.memory_space<semaphore_mem>> -> memref<1x!tpu.dma_semaphore, #tpu.memory_space<semaphore_mem>>
    %dma_start3A_49 = tpu.memref_squeeze %dma_start3A_48 : memref<1x!tpu.dma_semaphore, #tpu.memory_space<semaphore_mem>> -> memref<!tpu.dma_semaphore, #tpu.memory_space<semaphore_mem>>
    %dma_start3A_50 = arith.constant 0 : i32
    %dma_start3A_51 = arith.constant 0 : i32
    %dma_start3A_52 = tpu.memref_slice %arg4[%dma_start3A_40, %dma_start3A_50, %dma_start3A_51] : memref<3x32x1024xf32, #tpu.memory_space<vmem>> -> memref<1x32x1024xf32, #tpu.memory_space<vmem>>
    %dma_start3A_53 = tpu.memref_squeeze %dma_start3A_52 : memref<1x32x1024xf32, #tpu.memory_space<vmem>> -> memref<32x1024xf32, #tpu.memory_space<vmem>>
    %dma_start3A_54 = arith.constant 0 : i32
    %dma_start3A_55 = tpu.memref_slice %arg2[%add3A_39, %dma_start3A_54] : memref<4096x1024xf32, #tpu.memory_space<hbm>> -> memref<32x1024xf32, #tpu.memory_space<hbm>>
    tpu.enqueue_dma source(%dma_start3A_55 : memref<32x1024xf32, #tpu.memory_space<hbm>>) target(%dma_start3A_53 : memref<32x1024xf32, #tpu.memory_space<vmem>>) target_semaphore(%dma_start3A_49 : memref<!tpu.dma_semaphore, #tpu.memory_space<semaphore_mem>>)
    %add3A_56 = arith.constant 0 : i32
    %add3A_57 = arith.addi %mul3A_2, %add3A_56 : i32
    %dma_wait3A = arith.constant 0 : i32
    %dma_wait3A_58 = arith.constant 0 : i32
    %dma_wait3A_59 = arith.constant 0 : i32
    %dma_wait3A_60 = arith.constant 0 : i32
    %dma_wait3A_61 = tpu.memref_slice %arg4[%dma_wait3A, %dma_wait3A_59, %dma_wait3A_60] : memref<3x32x1024xf32, #tpu.memory_space<vmem>> -> memref<1x32x1024xf32, #tpu.memory_space<vmem>>
    %dma_wait3A_62 = tpu.memref_squeeze %dma_wait3A_61 : memref<1x32x1024xf32, #tpu.memory_space<vmem>> -> memref<32x1024xf32, #tpu.memory_space<vmem>>
    %dma_wait3A_63 = arith.constant 0 : i32
    %dma_wait3A_64 = tpu.memref_slice %arg2[%add3A_57, %dma_wait3A_63] : memref<4096x1024xf32, #tpu.memory_space<hbm>> -> memref<32x1024xf32, #tpu.memory_space<hbm>>
    %dma_wait3A_65 = tpu.memref_slice %arg5[%dma_wait3A_58] : memref<3x!tpu.dma_semaphore, #tpu.memory_space<semaphore_mem>> -> memref<1x!tpu.dma_semaphore, #tpu.memory_space<semaphore_mem>>
    %dma_wait3A_66 = tpu.memref_squeeze %dma_wait3A_65 : memref<1x!tpu.dma_semaphore, #tpu.memory_space<semaphore_mem>> -> memref<!tpu.dma_semaphore, #tpu.memory_space<semaphore_mem>>
    %dma_wait3A_67 = arith.constant 0 : i32
    %dma_wait3A_68 = arith.constant 0 : i32
    %dma_wait3A_69 = tpu.memref_slice %arg4[%dma_wait3A, %dma_wait3A_67, %dma_wait3A_68] : memref<3x32x1024xf32, #tpu.memory_space<vmem>> -> memref<1x32x1024xf32, #tpu.memory_space<vmem>>
    %dma_wait3A_70 = tpu.memref_squeeze %dma_wait3A_69 : memref<1x32x1024xf32, #tpu.memory_space<vmem>> -> memref<32x1024xf32, #tpu.memory_space<vmem>>
    %dma_wait3A_71 = arith.constant 0 : i32
    %dma_wait3A_72 = tpu.memref_slice %arg2[%add3A_57, %dma_wait3A_71] : memref<4096x1024xf32, #tpu.memory_space<hbm>> -> memref<32x1024xf32, #tpu.memory_space<hbm>>
    tpu.wait_dma2 semaphore(%dma_wait3A_66 : memref<!tpu.dma_semaphore, #tpu.memory_space<semaphore_mem>>) src(%dma_wait3A_72 : memref<32x1024xf32, #tpu.memory_space<hbm>>) dst(%dma_wait3A_70 : memref<32x1024xf32, #tpu.memory_space<vmem>>)
    %add3A_73 = arith.constant 0 : i32
    %add3A_74 = arith.addi %mul3A_2, %add3A_73 : i32
    %dma_start3A_75 = arith.constant 0 : i32
    %dma_start3A_76 = arith.constant 0 : i32
    %dma_start3A_77 = arith.constant 0 : i32
    %dma_start3A_78 = arith.constant 0 : i32
    %dma_start3A_79 = tpu.memref_slice %arg4[%dma_start3A_75, %dma_start3A_77, %dma_start3A_78] : memref<3x32x1024xf32, #tpu.memory_space<vmem>> -> memref<1x32x1024xf32, #tpu.memory_space<vmem>>
    %dma_start3A_80 = tpu.memref_squeeze %dma_start3A_79 : memref<1x32x1024xf32, #tpu.memory_space<vmem>> -> memref<32x1024xf32, #tpu.memory_space<vmem>>
    %dma_start3A_81 = arith.constant 0 : i32
    %dma_start3A_82 = tpu.memref_slice %arg3[%add3A_74, %dma_start3A_81] : memref<4096x1024xf32, #tpu.memory_space<hbm>> -> memref<32x1024xf32, #tpu.memory_space<hbm>>
    %dma_start3A_83 = tpu.memref_slice %arg6[%dma_start3A_76] : memref<3x!tpu.dma_semaphore, #tpu.memory_space<semaphore_mem>> -> memref<1x!tpu.dma_semaphore, #tpu.memory_space<semaphore_mem>>
    %dma_start3A_84 = tpu.memref_squeeze %dma_start3A_83 : memref<1x!tpu.dma_semaphore, #tpu.memory_space<semaphore_mem>> -> memref<!tpu.dma_semaphore, #tpu.memory_space<semaphore_mem>>
    %dma_start3A_85 = arith.constant 0 : i32
    %dma_start3A_86 = tpu.memref_slice %arg3[%add3A_74, %dma_start3A_85] : memref<4096x1024xf32, #tpu.memory_space<hbm>> -> memref<32x1024xf32, #tpu.memory_space<hbm>>
    %dma_start3A_87 = arith.constant 0 : i32
    %dma_start3A_88 = arith.constant 0 : i32
    %dma_start3A_89 = tpu.memref_slice %arg4[%dma_start3A_75, %dma_start3A_87, %dma_start3A_88] : memref<3x32x1024xf32, #tpu.memory_space<vmem>> -> memref<1x32x1024xf32, #tpu.memory_space<vmem>>
    %dma_start3A_90 = tpu.memref_squeeze %dma_start3A_89 : memref<1x32x1024xf32, #tpu.memory_space<vmem>> -> memref<32x1024xf32, #tpu.memory_space<vmem>>
    tpu.enqueue_dma source(%dma_start3A_90 : memref<32x1024xf32, #tpu.memory_space<vmem>>) target(%dma_start3A_86 : memref<32x1024xf32, #tpu.memory_space<hbm>>) target_semaphore(%dma_start3A_84 : memref<!tpu.dma_semaphore, #tpu.memory_space<semaphore_mem>>)
    %add3A_91 = arith.constant 0 : i32
    %add3A_92 = arith.addi %mul3A_2, %add3A_91 : i32
    %dma_wait3A_93 = arith.constant 0 : i32
    %dma_wait3A_94 = arith.constant 0 : i32
    %dma_wait3A_95 = arith.constant 0 : i32
    %dma_wait3A_96 = arith.constant 0 : i32
    %dma_wait3A_97 = tpu.memref_slice %arg4[%dma_wait3A_93, %dma_wait3A_95, %dma_wait3A_96] : memref<3x32x1024xf32, #tpu.memory_space<vmem>> -> memref<1x32x1024xf32, #tpu.memory_space<vmem>>
    %dma_wait3A_98 = tpu.memref_squeeze %dma_wait3A_97 : memref<1x32x1024xf32, #tpu.memory_space<vmem>> -> memref<32x1024xf32, #tpu.memory_space<vmem>>
    %dma_wait3A_99 = arith.constant 0 : i32
    %dma_wait3A_100 = tpu.memref_slice %arg3[%add3A_92, %dma_wait3A_99] : memref<4096x1024xf32, #tpu.memory_space<hbm>> -> memref<32x1024xf32, #tpu.memory_space<hbm>>
    %dma_wait3A_101 = tpu.memref_slice %arg6[%dma_wait3A_94] : memref<3x!tpu.dma_semaphore, #tpu.memory_space<semaphore_mem>> -> memref<1x!tpu.dma_semaphore, #tpu.memory_space<semaphore_mem>>
    %dma_wait3A_102 = tpu.memref_squeeze %dma_wait3A_101 : memref<1x!tpu.dma_semaphore, #tpu.memory_space<semaphore_mem>> -> memref<!tpu.dma_semaphore, #tpu.memory_space<semaphore_mem>>
    %dma_wait3A_103 = arith.constant 0 : i32
    %dma_wait3A_104 = tpu.memref_slice %arg3[%add3A_92, %dma_wait3A_103] : memref<4096x1024xf32, #tpu.memory_space<hbm>> -> memref<32x1024xf32, #tpu.memory_space<hbm>>
    %dma_wait3A_105 = arith.constant 0 : i32
    %dma_wait3A_106 = arith.constant 0 : i32
    %dma_wait3A_107 = tpu.memref_slice %arg4[%dma_wait3A_93, %dma_wait3A_105, %dma_wait3A_106] : memref<3x32x1024xf32, #tpu.memory_space<vmem>> -> memref<1x32x1024xf32, #tpu.memory_space<vmem>>
    %dma_wait3A_108 = tpu.memref_squeeze %dma_wait3A_107 : memref<1x32x1024xf32, #tpu.memory_space<vmem>> -> memref<32x1024xf32, #tpu.memory_space<vmem>>
    tpu.wait_dma2 semaphore(%dma_wait3A_102 : memref<!tpu.dma_semaphore, #tpu.memory_space<semaphore_mem>>) src(%dma_wait3A_108 : memref<32x1024xf32, #tpu.memory_space<vmem>>) dst(%dma_wait3A_104 : memref<32x1024xf32, #tpu.memory_space<hbm>>)
    %add3A_109 = arith.constant 96 : i32
    %add3A_110 = arith.addi %mul3A_2, %add3A_109 : i32
    %dma_start3A_111 = arith.constant 0 : i32
    %dma_start3A_112 = arith.constant 0 : i32
    %dma_start3A_113 = arith.constant 0 : i32
    %dma_start3A_114 = arith.constant 0 : i32
    %dma_start3A_115 = tpu.memref_slice %arg4[%dma_start3A_111, %dma_start3A_113, %dma_start3A_114] : memref<3x32x1024xf32, #tpu.memory_space<vmem>> -> memref<1x32x1024xf32, #tpu.memory_space<vmem>>
    %dma_start3A_116 = tpu.memref_squeeze %dma_start3A_115 : memref<1x32x1024xf32, #tpu.memory_space<vmem>> -> memref<32x1024xf32, #tpu.memory_space<vmem>>
    %dma_start3A_117 = arith.constant 0 : i32
    %dma_start3A_118 = tpu.memref_slice %arg2[%add3A_110, %dma_start3A_117] : memref<4096x1024xf32, #tpu.memory_space<hbm>> -> memref<32x1024xf32, #tpu.memory_space<hbm>>
    %dma_start3A_119 = tpu.memref_slice %arg5[%dma_start3A_112] : memref<3x!tpu.dma_semaphore, #tpu.memory_space<semaphore_mem>> -> memref<1x!tpu.dma_semaphore, #tpu.memory_space<semaphore_mem>>
    %dma_start3A_120 = tpu.memref_squeeze %dma_start3A_119 : memref<1x!tpu.dma_semaphore, #tpu.memory_space<semaphore_mem>> -> memref<!tpu.dma_semaphore, #tpu.memory_space<semaphore_mem>>
    %dma_start3A_121 = arith.constant 0 : i32
    %dma_start3A_122 = arith.constant 0 : i32
    %dma_start3A_123 = tpu.memref_slice %arg4[%dma_start3A_111, %dma_start3A_121, %dma_start3A_122] : memref<3x32x1024xf32, #tpu.memory_space<vmem>> -> memref<1x32x1024xf32, #tpu.memory_space<vmem>>
    %dma_start3A_124 = tpu.memref_squeeze %dma_start3A_123 : memref<1x32x1024xf32, #tpu.memory_space<vmem>> -> memref<32x1024xf32, #tpu.memory_space<vmem>>
    %dma_start3A_125 = arith.constant 0 : i32
    %dma_start3A_126 = tpu.memref_slice %arg2[%add3A_110, %dma_start3A_125] : memref<4096x1024xf32, #tpu.memory_space<hbm>> -> memref<32x1024xf32, #tpu.memory_space<hbm>>
    tpu.enqueue_dma source(%dma_start3A_126 : memref<32x1024xf32, #tpu.memory_space<hbm>>) target(%dma_start3A_124 : memref<32x1024xf32, #tpu.memory_space<vmem>>) target_semaphore(%dma_start3A_120 : memref<!tpu.dma_semaphore, #tpu.memory_space<semaphore_mem>>)
    %add3A_127 = arith.constant 32 : i32
    %add3A_128 = arith.addi %mul3A_2, %add3A_127 : i32
    %dma_wait3A_129 = arith.constant 1 : i32
    %dma_wait3A_130 = arith.constant 1 : i32
    %dma_wait3A_131 = arith.constant 0 : i32
    %dma_wait3A_132 = arith.constant 0 : i32
    %dma_wait3A_133 = tpu.memref_slice %arg4[%dma_wait3A_129, %dma_wait3A_131, %dma_wait3A_132] : memref<3x32x1024xf32, #tpu.memory_space<vmem>> -> memref<1x32x1024xf32, #tpu.memory_space<vmem>>
    %dma_wait3A_134 = tpu.memref_squeeze %dma_wait3A_133 : memref<1x32x1024xf32, #tpu.memory_space<vmem>> -> memref<32x1024xf32, #tpu.memory_space<vmem>>
    %dma_wait3A_135 = arith.constant 0 : i32
    %dma_wait3A_136 = tpu.memref_slice %arg2[%add3A_128, %dma_wait3A_135] : memref<4096x1024xf32, #tpu.memory_space<hbm>> -> memref<32x1024xf32, #tpu.memory_space<hbm>>
    %dma_wait3A_137 = tpu.memref_slice %arg5[%dma_wait3A_130] : memref<3x!tpu.dma_semaphore, #tpu.memory_space<semaphore_mem>> -> memref<1x!tpu.dma_semaphore, #tpu.memory_space<semaphore_mem>>
    %dma_wait3A_138 = tpu.memref_squeeze %dma_wait3A_137 : memref<1x!tpu.dma_semaphore, #tpu.memory_space<semaphore_mem>> -> memref<!tpu.dma_semaphore, #tpu.memory_space<semaphore_mem>>
    %dma_wait3A_139 = arith.constant 0 : i32
    %dma_wait3A_140 = arith.constant 0 : i32
    %dma_wait3A_141 = tpu.memref_slice %arg4[%dma_wait3A_129, %dma_wait3A_139, %dma_wait3A_140] : memref<3x32x1024xf32, #tpu.memory_space<vmem>> -> memref<1x32x1024xf32, #tpu.memory_space<vmem>>
    %dma_wait3A_142 = tpu.memref_squeeze %dma_wait3A_141 : memref<1x32x1024xf32, #tpu.memory_space<vmem>> -> memref<32x1024xf32, #tpu.memory_space<vmem>>
    %dma_wait3A_143 = arith.constant 0 : i32
    %dma_wait3A_144 = tpu.memref_slice %arg2[%add3A_128, %dma_wait3A_143] : memref<4096x1024xf32, #tpu.memory_space<hbm>> -> memref<32x1024xf32, #tpu.memory_space<hbm>>
    tpu.wait_dma2 semaphore(%dma_wait3A_138 : memref<!tpu.dma_semaphore, #tpu.memory_space<semaphore_mem>>) src(%dma_wait3A_144 : memref<32x1024xf32, #tpu.memory_space<hbm>>) dst(%dma_wait3A_142 : memref<32x1024xf32, #tpu.memory_space<vmem>>)
    %add3A_145 = arith.constant 32 : i32
    %add3A_146 = arith.addi %mul3A_2, %add3A_145 : i32
    %dma_start3A_147 = arith.constant 1 : i32
    %dma_start3A_148 = arith.constant 1 : i32
    %dma_start3A_149 = arith.constant 0 : i32
    %dma_start3A_150 = arith.constant 0 : i32
    %dma_start3A_151 = tpu.memref_slice %arg4[%dma_start3A_147, %dma_start3A_149, %dma_start3A_150] : memref<3x32x1024xf32, #tpu.memory_space<vmem>> -> memref<1x32x1024xf32, #tpu.memory_space<vmem>>
    %dma_start3A_152 = tpu.memref_squeeze %dma_start3A_151 : memref<1x32x1024xf32, #tpu.memory_space<vmem>> -> memref<32x1024xf32, #tpu.memory_space<vmem>>
    %dma_start3A_153 = arith.constant 0 : i32
    %dma_start3A_154 = tpu.memref_slice %arg3[%add3A_146, %dma_start3A_153] : memref<4096x1024xf32, #tpu.memory_space<hbm>> -> memref<32x1024xf32, #tpu.memory_space<hbm>>
    %dma_start3A_155 = tpu.memref_slice %arg6[%dma_start3A_148] : memref<3x!tpu.dma_semaphore, #tpu.memory_space<semaphore_mem>> -> memref<1x!tpu.dma_semaphore, #tpu.memory_space<semaphore_mem>>
    %dma_start3A_156 = tpu.memref_squeeze %dma_start3A_155 : memref<1x!tpu.dma_semaphore, #tpu.memory_space<semaphore_mem>> -> memref<!tpu.dma_semaphore, #tpu.memory_space<semaphore_mem>>
    %dma_start3A_157 = arith.constant 0 : i32
    %dma_start3A_158 = tpu.memref_slice %arg3[%add3A_146, %dma_start3A_157] : memref<4096x1024xf32, #tpu.memory_space<hbm>> -> memref<32x1024xf32, #tpu.memory_space<hbm>>
    %dma_start3A_159 = arith.constant 0 : i32
    %dma_start3A_160 = arith.constant 0 : i32
    %dma_start3A_161 = tpu.memref_slice %arg4[%dma_start3A_147, %dma_start3A_159, %dma_start3A_160] : memref<3x32x1024xf32, #tpu.memory_space<vmem>> -> memref<1x32x1024xf32, #tpu.memory_space<vmem>>
    %dma_start3A_162 = tpu.memref_squeeze %dma_start3A_161 : memref<1x32x1024xf32, #tpu.memory_space<vmem>> -> memref<32x1024xf32, #tpu.memory_space<vmem>>
    tpu.enqueue_dma source(%dma_start3A_162 : memref<32x1024xf32, #tpu.memory_space<vmem>>) target(%dma_start3A_158 : memref<32x1024xf32, #tpu.memory_space<hbm>>) target_semaphore(%dma_start3A_156 : memref<!tpu.dma_semaphore, #tpu.memory_space<semaphore_mem>>)
    %add3A_163 = arith.constant 64 : i32
    %add3A_164 = arith.addi %mul3A_2, %add3A_163 : i32
    %dma_wait3A_165 = arith.constant 2 : i32
    %dma_wait3A_166 = arith.constant 2 : i32
    %dma_wait3A_167 = arith.constant 0 : i32
    %dma_wait3A_168 = arith.constant 0 : i32
    %dma_wait3A_169 = tpu.memref_slice %arg4[%dma_wait3A_165, %dma_wait3A_167, %dma_wait3A_168] : memref<3x32x1024xf32, #tpu.memory_space<vmem>> -> memref<1x32x1024xf32, #tpu.memory_space<vmem>>
    %dma_wait3A_170 = tpu.memref_squeeze %dma_wait3A_169 : memref<1x32x1024xf32, #tpu.memory_space<vmem>> -> memref<32x1024xf32, #tpu.memory_space<vmem>>
    %dma_wait3A_171 = arith.constant 0 : i32
    %dma_wait3A_172 = tpu.memref_slice %arg2[%add3A_164, %dma_wait3A_171] : memref<4096x1024xf32, #tpu.memory_space<hbm>> -> memref<32x1024xf32, #tpu.memory_space<hbm>>
    %dma_wait3A_173 = tpu.memref_slice %arg5[%dma_wait3A_166] : memref<3x!tpu.dma_semaphore, #tpu.memory_space<semaphore_mem>> -> memref<1x!tpu.dma_semaphore, #tpu.memory_space<semaphore_mem>>
    %dma_wait3A_174 = tpu.memref_squeeze %dma_wait3A_173 : memref<1x!tpu.dma_semaphore, #tpu.memory_space<semaphore_mem>> -> memref<!tpu.dma_semaphore, #tpu.memory_space<semaphore_mem>>
    %dma_wait3A_175 = arith.constant 0 : i32
    %dma_wait3A_176 = arith.constant 0 : i32
    %dma_wait3A_177 = tpu.memref_slice %arg4[%dma_wait3A_165, %dma_wait3A_175, %dma_wait3A_176] : memref<3x32x1024xf32, #tpu.memory_space<vmem>> -> memref<1x32x1024xf32, #tpu.memory_space<vmem>>
    %dma_wait3A_178 = tpu.memref_squeeze %dma_wait3A_177 : memref<1x32x1024xf32, #tpu.memory_space<vmem>> -> memref<32x1024xf32, #tpu.memory_space<vmem>>
    %dma_wait3A_179 = arith.constant 0 : i32
    %dma_wait3A_180 = tpu.memref_slice %arg2[%add3A_164, %dma_wait3A_179] : memref<4096x1024xf32, #tpu.memory_space<hbm>> -> memref<32x1024xf32, #tpu.memory_space<hbm>>
    tpu.wait_dma2 semaphore(%dma_wait3A_174 : memref<!tpu.dma_semaphore, #tpu.memory_space<semaphore_mem>>) src(%dma_wait3A_180 : memref<32x1024xf32, #tpu.memory_space<hbm>>) dst(%dma_wait3A_178 : memref<32x1024xf32, #tpu.memory_space<vmem>>)
    %add3A_181 = arith.constant 64 : i32
    %add3A_182 = arith.addi %mul3A_2, %add3A_181 : i32
    %dma_start3A_183 = arith.constant 2 : i32
    %dma_start3A_184 = arith.constant 2 : i32
    %dma_start3A_185 = arith.constant 0 : i32
    %dma_start3A_186 = arith.constant 0 : i32
    %dma_start3A_187 = tpu.memref_slice %arg4[%dma_start3A_183, %dma_start3A_185, %dma_start3A_186] : memref<3x32x1024xf32, #tpu.memory_space<vmem>> -> memref<1x32x1024xf32, #tpu.memory_space<vmem>>
    %dma_start3A_188 = tpu.memref_squeeze %dma_start3A_187 : memref<1x32x1024xf32, #tpu.memory_space<vmem>> -> memref<32x1024xf32, #tpu.memory_space<vmem>>
    %dma_start3A_189 = arith.constant 0 : i32
    %dma_start3A_190 = tpu.memref_slice %arg3[%add3A_182, %dma_start3A_189] : memref<4096x1024xf32, #tpu.memory_space<hbm>> -> memref<32x1024xf32, #tpu.memory_space<hbm>>
    %dma_start3A_191 = tpu.memref_slice %arg6[%dma_start3A_184] : memref<3x!tpu.dma_semaphore, #tpu.memory_space<semaphore_mem>> -> memref<1x!tpu.dma_semaphore, #tpu.memory_space<semaphore_mem>>
    %dma_start3A_192 = tpu.memref_squeeze %dma_start3A_191 : memref<1x!tpu.dma_semaphore, #tpu.memory_space<semaphore_mem>> -> memref<!tpu.dma_semaphore, #tpu.memory_space<semaphore_mem>>
    %dma_start3A_193 = arith.constant 0 : i32
    %dma_start3A_194 = tpu.memref_slice %arg3[%add3A_182, %dma_start3A_193] : memref<4096x1024xf32, #tpu.memory_space<hbm>> -> memref<32x1024xf32, #tpu.memory_space<hbm>>
    %dma_start3A_195 = arith.constant 0 : i32
    %dma_start3A_196 = arith.constant 0 : i32
    %dma_start3A_197 = tpu.memref_slice %arg4[%dma_start3A_183, %dma_start3A_195, %dma_start3A_196] : memref<3x32x1024xf32, #tpu.memory_space<vmem>> -> memref<1x32x1024xf32, #tpu.memory_space<vmem>>
    %dma_start3A_198 = tpu.memref_squeeze %dma_start3A_197 : memref<1x32x1024xf32, #tpu.memory_space<vmem>> -> memref<32x1024xf32, #tpu.memory_space<vmem>>
    tpu.enqueue_dma source(%dma_start3A_198 : memref<32x1024xf32, #tpu.memory_space<vmem>>) target(%dma_start3A_194 : memref<32x1024xf32, #tpu.memory_space<hbm>>) target_semaphore(%dma_start3A_192 : memref<!tpu.dma_semaphore, #tpu.memory_space<semaphore_mem>>)
    %add3A_199 = arith.constant 96 : i32
    %add3A_200 = arith.addi %mul3A_2, %add3A_199 : i32
    %dma_wait3A_201 = arith.constant 0 : i32
    %dma_wait3A_202 = arith.constant 0 : i32
    %dma_wait3A_203 = arith.constant 0 : i32
    %dma_wait3A_204 = arith.constant 0 : i32
    %dma_wait3A_205 = tpu.memref_slice %arg4[%dma_wait3A_201, %dma_wait3A_203, %dma_wait3A_204] : memref<3x32x1024xf32, #tpu.memory_space<vmem>> -> memref<1x32x1024xf32, #tpu.memory_space<vmem>>
    %dma_wait3A_206 = tpu.memref_squeeze %dma_wait3A_205 : memref<1x32x1024xf32, #tpu.memory_space<vmem>> -> memref<32x1024xf32, #tpu.memory_space<vmem>>
    %dma_wait3A_207 = arith.constant 0 : i32
    %dma_wait3A_208 = tpu.memref_slice %arg2[%add3A_200, %dma_wait3A_207] : memref<4096x1024xf32, #tpu.memory_space<hbm>> -> memref<32x1024xf32, #tpu.memory_space<hbm>>
    %dma_wait3A_209 = tpu.memref_slice %arg5[%dma_wait3A_202] : memref<3x!tpu.dma_semaphore, #tpu.memory_space<semaphore_mem>> -> memref<1x!tpu.dma_semaphore, #tpu.memory_space<semaphore_mem>>
    %dma_wait3A_210 = tpu.memref_squeeze %dma_wait3A_209 : memref<1x!tpu.dma_semaphore, #tpu.memory_space<semaphore_mem>> -> memref<!tpu.dma_semaphore, #tpu.memory_space<semaphore_mem>>
    %dma_wait3A_211 = arith.constant 0 : i32
    %dma_wait3A_212 = arith.constant 0 : i32
    %dma_wait3A_213 = tpu.memref_slice %arg4[%dma_wait3A_201, %dma_wait3A_211, %dma_wait3A_212] : memref<3x32x1024xf32, #tpu.memory_space<vmem>> -> memref<1x32x1024xf32, #tpu.memory_space<vmem>>
    %dma_wait3A_214 = tpu.memref_squeeze %dma_wait3A_213 : memref<1x32x1024xf32, #tpu.memory_space<vmem>> -> memref<32x1024xf32, #tpu.memory_space<vmem>>
    %dma_wait3A_215 = arith.constant 0 : i32
    %dma_wait3A_216 = tpu.memref_slice %arg2[%add3A_200, %dma_wait3A_215] : memref<4096x1024xf32, #tpu.memory_space<hbm>> -> memref<32x1024xf32, #tpu.memory_space<hbm>>
    tpu.wait_dma2 semaphore(%dma_wait3A_210 : memref<!tpu.dma_semaphore, #tpu.memory_space<semaphore_mem>>) src(%dma_wait3A_216 : memref<32x1024xf32, #tpu.memory_space<hbm>>) dst(%dma_wait3A_214 : memref<32x1024xf32, #tpu.memory_space<vmem>>)
    %add3A_217 = arith.constant 96 : i32
    %add3A_218 = arith.addi %mul3A_2, %add3A_217 : i32
    %dma_start3A_219 = arith.constant 0 : i32
    %dma_start3A_220 = arith.constant 0 : i32
    %dma_start3A_221 = arith.constant 0 : i32
    %dma_start3A_222 = arith.constant 0 : i32
    %dma_start3A_223 = tpu.memref_slice %arg4[%dma_start3A_219, %dma_start3A_221, %dma_start3A_222] : memref<3x32x1024xf32, #tpu.memory_space<vmem>> -> memref<1x32x1024xf32, #tpu.memory_space<vmem>>
    %dma_start3A_224 = tpu.memref_squeeze %dma_start3A_223 : memref<1x32x1024xf32, #tpu.memory_space<vmem>> -> memref<32x1024xf32, #tpu.memory_space<vmem>>
    %dma_start3A_225 = arith.constant 0 : i32
    %dma_start3A_226 = tpu.memref_slice %arg3[%add3A_218, %dma_start3A_225] : memref<4096x1024xf32, #tpu.memory_space<hbm>> -> memref<32x1024xf32, #tpu.memory_space<hbm>>
    %dma_start3A_227 = tpu.memref_slice %arg6[%dma_start3A_220] : memref<3x!tpu.dma_semaphore, #tpu.memory_space<semaphore_mem>> -> memref<1x!tpu.dma_semaphore, #tpu.memory_space<semaphore_mem>>
    %dma_start3A_228 = tpu.memref_squeeze %dma_start3A_227 : memref<1x!tpu.dma_semaphore, #tpu.memory_space<semaphore_mem>> -> memref<!tpu.dma_semaphore, #tpu.memory_space<semaphore_mem>>
    %dma_start3A_229 = arith.constant 0 : i32
    %dma_start3A_230 = tpu.memref_slice %arg3[%add3A_218, %dma_start3A_229] : memref<4096x1024xf32, #tpu.memory_space<hbm>> -> memref<32x1024xf32, #tpu.memory_space<hbm>>
    %dma_start3A_231 = arith.constant 0 : i32
    %dma_start3A_232 = arith.constant 0 : i32
    %dma_start3A_233 = tpu.memref_slice %arg4[%dma_start3A_219, %dma_start3A_231, %dma_start3A_232] : memref<3x32x1024xf32, #tpu.memory_space<vmem>> -> memref<1x32x1024xf32, #tpu.memory_space<vmem>>
    %dma_start3A_234 = tpu.memref_squeeze %dma_start3A_233 : memref<1x32x1024xf32, #tpu.memory_space<vmem>> -> memref<32x1024xf32, #tpu.memory_space<vmem>>
    tpu.enqueue_dma source(%dma_start3A_234 : memref<32x1024xf32, #tpu.memory_space<vmem>>) target(%dma_start3A_230 : memref<32x1024xf32, #tpu.memory_space<hbm>>) target_semaphore(%dma_start3A_228 : memref<!tpu.dma_semaphore, #tpu.memory_space<semaphore_mem>>)
    %add3A_235 = arith.constant 32 : i32
    %add3A_236 = arith.addi %mul3A_2, %add3A_235 : i32
    %dma_wait3A_237 = arith.constant 1 : i32
    %dma_wait3A_238 = arith.constant 1 : i32
    %dma_wait3A_239 = arith.constant 0 : i32
    %dma_wait3A_240 = arith.constant 0 : i32
    %dma_wait3A_241 = tpu.memref_slice %arg4[%dma_wait3A_237, %dma_wait3A_239, %dma_wait3A_240] : memref<3x32x1024xf32, #tpu.memory_space<vmem>> -> memref<1x32x1024xf32, #tpu.memory_space<vmem>>
    %dma_wait3A_242 = tpu.memref_squeeze %dma_wait3A_241 : memref<1x32x1024xf32, #tpu.memory_space<vmem>> -> memref<32x1024xf32, #tpu.memory_space<vmem>>
    %dma_wait3A_243 = arith.constant 0 : i32
    %dma_wait3A_244 = tpu.memref_slice %arg3[%add3A_236, %dma_wait3A_243] : memref<4096x1024xf32, #tpu.memory_space<hbm>> -> memref<32x1024xf32, #tpu.memory_space<hbm>>
    %dma_wait3A_245 = tpu.memref_slice %arg6[%dma_wait3A_238] : memref<3x!tpu.dma_semaphore, #tpu.memory_space<semaphore_mem>> -> memref<1x!tpu.dma_semaphore, #tpu.memory_space<semaphore_mem>>
    %dma_wait3A_246 = tpu.memref_squeeze %dma_wait3A_245 : memref<1x!tpu.dma_semaphore, #tpu.memory_space<semaphore_mem>> -> memref<!tpu.dma_semaphore, #tpu.memory_space<semaphore_mem>>
    %dma_wait3A_247 = arith.constant 0 : i32
    %dma_wait3A_248 = tpu.memref_slice %arg3[%add3A_236, %dma_wait3A_247] : memref<4096x1024xf32, #tpu.memory_space<hbm>> -> memref<32x1024xf32, #tpu.memory_space<hbm>>
    %dma_wait3A_249 = arith.constant 0 : i32
    %dma_wait3A_250 = arith.constant 0 : i32
    %dma_wait3A_251 = tpu.memref_slice %arg4[%dma_wait3A_237, %dma_wait3A_249, %dma_wait3A_250] : memref<3x32x1024xf32, #tpu.memory_space<vmem>> -> memref<1x32x1024xf32, #tpu.memory_space<vmem>>
    %dma_wait3A_252 = tpu.memref_squeeze %dma_wait3A_251 : memref<1x32x1024xf32, #tpu.memory_space<vmem>> -> memref<32x1024xf32, #tpu.memory_space<vmem>>
    tpu.wait_dma2 semaphore(%dma_wait3A_246 : memref<!tpu.dma_semaphore, #tpu.memory_space<semaphore_mem>>) src(%dma_wait3A_252 : memref<32x1024xf32, #tpu.memory_space<vmem>>) dst(%dma_wait3A_248 : memref<32x1024xf32, #tpu.memory_space<hbm>>)
    %add3A_253 = arith.constant 64 : i32
    %add3A_254 = arith.addi %mul3A_2, %add3A_253 : i32
    %dma_wait3A_255 = arith.constant 2 : i32
    %dma_wait3A_256 = arith.constant 2 : i32
    %dma_wait3A_257 = arith.constant 0 : i32
    %dma_wait3A_258 = arith.constant 0 : i32
    %dma_wait3A_259 = tpu.memref_slice %arg4[%dma_wait3A_255, %dma_wait3A_257, %dma_wait3A_258] : memref<3x32x1024xf32, #tpu.memory_space<vmem>> -> memref<1x32x1024xf32, #tpu.memory_space<vmem>>
    %dma_wait3A_260 = tpu.memref_squeeze %dma_wait3A_259 : memref<1x32x1024xf32, #tpu.memory_space<vmem>> -> memref<32x1024xf32, #tpu.memory_space<vmem>>
    %dma_wait3A_261 = arith.constant 0 : i32
    %dma_wait3A_262 = tpu.memref_slice %arg3[%add3A_254, %dma_wait3A_261] : memref<4096x1024xf32, #tpu.memory_space<hbm>> -> memref<32x1024xf32, #tpu.memory_space<hbm>>
    %dma_wait3A_263 = tpu.memref_slice %arg6[%dma_wait3A_256] : memref<3x!tpu.dma_semaphore, #tpu.memory_space<semaphore_mem>> -> memref<1x!tpu.dma_semaphore, #tpu.memory_space<semaphore_mem>>
    %dma_wait3A_264 = tpu.memref_squeeze %dma_wait3A_263 : memref<1x!tpu.dma_semaphore, #tpu.memory_space<semaphore_mem>> -> memref<!tpu.dma_semaphore, #tpu.memory_space<semaphore_mem>>
    %dma_wait3A_265 = arith.constant 0 : i32
    %dma_wait3A_266 = tpu.memref_slice %arg3[%add3A_254, %dma_wait3A_265] : memref<4096x1024xf32, #tpu.memory_space<hbm>> -> memref<32x1024xf32, #tpu.memory_space<hbm>>
    %dma_wait3A_267 = arith.constant 0 : i32
    %dma_wait3A_268 = arith.constant 0 : i32
    %dma_wait3A_269 = tpu.memref_slice %arg4[%dma_wait3A_255, %dma_wait3A_267, %dma_wait3A_268] : memref<3x32x1024xf32, #tpu.memory_space<vmem>> -> memref<1x32x1024xf32, #tpu.memory_space<vmem>>
    %dma_wait3A_270 = tpu.memref_squeeze %dma_wait3A_269 : memref<1x32x1024xf32, #tpu.memory_space<vmem>> -> memref<32x1024xf32, #tpu.memory_space<vmem>>
    tpu.wait_dma2 semaphore(%dma_wait3A_264 : memref<!tpu.dma_semaphore, #tpu.memory_space<semaphore_mem>>) src(%dma_wait3A_270 : memref<32x1024xf32, #tpu.memory_space<vmem>>) dst(%dma_wait3A_266 : memref<32x1024xf32, #tpu.memory_space<hbm>>)
    %add3A_271 = arith.constant 96 : i32
    %add3A_272 = arith.addi %mul3A_2, %add3A_271 : i32
    %dma_wait3A_273 = arith.constant 0 : i32
    %dma_wait3A_274 = arith.constant 0 : i32
    %dma_wait3A_275 = arith.constant 0 : i32
    %dma_wait3A_276 = arith.constant 0 : i32
    %dma_wait3A_277 = tpu.memref_slice %arg4[%dma_wait3A_273, %dma_wait3A_275, %dma_wait3A_276] : memref<3x32x1024xf32, #tpu.memory_space<vmem>> -> memref<1x32x1024xf32, #tpu.memory_space<vmem>>
    %dma_wait3A_278 = tpu.memref_squeeze %dma_wait3A_277 : memref<1x32x1024xf32, #tpu.memory_space<vmem>> -> memref<32x1024xf32, #tpu.memory_space<vmem>>
    %dma_wait3A_279 = arith.constant 0 : i32
    %dma_wait3A_280 = tpu.memref_slice %arg3[%add3A_272, %dma_wait3A_279] : memref<4096x1024xf32, #tpu.memory_space<hbm>> -> memref<32x1024xf32, #tpu.memory_space<hbm>>
    %dma_wait3A_281 = tpu.memref_slice %arg6[%dma_wait3A_274] : memref<3x!tpu.dma_semaphore, #tpu.memory_space<semaphore_mem>> -> memref<1x!tpu.dma_semaphore, #tpu.memory_space<semaphore_mem>>
    %dma_wait3A_282 = tpu.memref_squeeze %dma_wait3A_281 : memref<1x!tpu.dma_semaphore, #tpu.memory_space<semaphore_mem>> -> memref<!tpu.dma_semaphore, #tpu.memory_space<semaphore_mem>>
    %dma_wait3A_283 = arith.constant 0 : i32
    %dma_wait3A_284 = tpu.memref_slice %arg3[%add3A_272, %dma_wait3A_283] : memref<4096x1024xf32, #tpu.memory_space<hbm>> -> memref<32x1024xf32, #tpu.memory_space<hbm>>
    %dma_wait3A_285 = arith.constant 0 : i32
    %dma_wait3A_286 = arith.constant 0 : i32
    %dma_wait3A_287 = tpu.memref_slice %arg4[%dma_wait3A_273, %dma_wait3A_285, %dma_wait3A_286] : memref<3x32x1024xf32, #tpu.memory_space<vmem>> -> memref<1x32x1024xf32, #tpu.memory_space<vmem>>
    %dma_wait3A_288 = tpu.memref_squeeze %dma_wait3A_287 : memref<1x32x1024xf32, #tpu.memory_space<vmem>> -> memref<32x1024xf32, #tpu.memory_space<vmem>>
    tpu.wait_dma2 semaphore(%dma_wait3A_282 : memref<!tpu.dma_semaphore, #tpu.memory_space<semaphore_mem>>) src(%dma_wait3A_288 : memref<32x1024xf32, #tpu.memory_space<vmem>>) dst(%dma_wait3A_284 : memref<32x1024xf32, #tpu.memory_space<hbm>>)
    return
  }
}

</mosaic_0001>

<sc_bundles>
// kernel: kernel.3.cloned.1.call-start
scs
__scs_entry_jumppad:
0x0: {  	(pc) =	sbr.rel $0x88, $3  }
0x1: {  	(tag) =	ssettag $0x0;
	lr =	simm.s32 $0x1  }
0x2: {  	[smem:$0x3FA0] =	sst lr;
	_ =	strace $0xD0000000  }
0x3: {  	_ = 	snop  }
0x4: {  	_ = 	snop  }
0x5: {  	_ = 	snop  }
0x6: {  	_ = 	snop  }
0x7: {  	_ = 	snop  }
__scs_overlays_trampoline_lowered:
0x8: {  	[smem:$0x3FAF] =	sst s0  }
0x9: {  	[smem:$0x3FB0] =	sst s1  }
0xa: {  	[smem:$0x3FB1] =	sst s2  }
0xb: {  	[smem:$0x3FB2] =	sst s3  }
0xc: {  	[smem:$0x3FB3] =	sst s4  }
0xd: {  	[smem:$0x3FB4] =	sst s5  }
0xe: {  	[smem:$0x3FB5] =	sst s6  }
0xf: {  	[smem:$0x3FB6] =	sst s7  }
0x10: {  	[smem:$0x3FB7] =	sst s8  }
0x11: {  	[smem:$0x3FB8] =	sst s9;
	s0 =	simm.s32 @!p0 $0x0  }
0x12: {  	s1 =	sld [smem:$0x3F9E];
	s0 =	simm.s32 @p0 $0x1  }
0x13: {  	[smem:$0x3FB9] =	sst s0;
	s0 =	simm.s32 @!p1 $0x0  }
0x14: {  	s2 =	sld [smem:$0x3F9D];
	s0 =	simm.s32 @p1 $0x1  }
0x15: {  	[smem:$0x3FBA] =	sst s0;
	s0 =	simm.s32 @!p2 $0x0  }
0x16: {  	s3 =	sld [smem:$0x3FDB];
	s0 =	simm.s32 @p2 $0x1  }
0x17: {  	s4 =	simm.s32 $0x1BF5;
	[smem:$0x3FBC] =	sst s0  }
0x18: {  	s0 =	sld [smem:$0x3F9F];
	_ =	swait.ge [sflag:s4], $0x0  }
0x19: {  	s7 =	sld [smem:$0x3FA0]  }
0x1a: {  	s8 =	sadd.s32 $0xFFFFE003, lr  }
0x1b: {  	s9 =	sadd.s32 $0xFFFFFEF7, lr;
	s5 =	simm.s32 $0xFFFFFFFF;
	p2 =	slt.u32 s8, $0xFFFFF086  }
0x1c: {  	p1 =	slt.u32 s9, $0xF7A;
	s5 =	simm.s32 @!p2 $0x0  }
0x1d: {  	s5 =	simm.s32 @p1 $0x1;
	p0 =	seq.s32 s7, s2  }
0x1e: {  	s7 =	smul.u32 @!p0 $0xF7A, s2;
	p2 =	seq.s32 @!p0 s5, $0x0  }
0x1f: {  	s9 =	smul.u32 $0xF7A, s1;
	s8 =	simm.s32 @!p0 $0x1BF5;
	p2 =	por !p2, p0  }
0x20: {  	[sflag:s8] =	ssyncset.s32 @!p0 $0xFFFFF086;
	s6 =	sadd.s32 @!p0 s3, s7;
	s7 =	simm.s32 @!p0 $0x108  }
0x21: {  	s3 =	sadd.s32 s3, s9;
	s6 =	sadd.s32 @!p0 $0x88, s6;
	s7 =	simm.s32 @p2 $0x1082  }
0x22: {  	[simem:s7], [sflag:s8] =	dma.local @!p0 [hbm:s6], $0xF7A  }
0x23: {  	s9 =	sor.u32 $0xD0000000, s2;
	s6 =	simm.s32 $0x108;
	_ =	swait.ge @!p0 [sflag:s8], $0x0  }
0x24: {  	s3 =	sadd.s32 $0x88, s3;
	s6 =	simm.s32 @!p1 $0x1082;
	[sflag:s4] =	ssyncset.s32 $0xFFFFF086  }
0x25: {  	[simem:s6], [sflag:s4] =	dma.local [hbm:s3], $0xF7A  }
0x26: {  	[smem:$0x3FA0] =	sst s1;
	(tag) =	ssettag s2;
	_ =	strace s9  }
0x27: {  	s1 =	sld [smem:$0x3FB0]  }
0x28: {  	s2 =	sld [smem:$0x3FB1]  }
0x29: {  	s4 =	sld [smem:$0x3FB3]  }
0x2a: {  	p0 =	seq.s32 s5, $0x0;
	s5 =	sld [smem:$0x3FB4]  }
0x2b: {  	s6 =	sld [smem:$0x3FB5]  }
0x2c: {  	s7 =	sld [smem:$0x3FB6]  }
0x2d: {  	s3 =	simm.s32 $0x108;
	s8 =	sld [smem:$0x3FB7]  }
0x2e: {  	s3 =	simm.s32 @!p0 $0x1082;
	s9 =	sld [smem:$0x3FB8]  }
0x2f: {  	lr =	sadd.s32 s0, s3;
	s0 =	sld [smem:$0x3FAF]  }
0x30: {  	s3 =	sld [smem:$0x3FB2]  }
0x31: {  	[smem:$0x3FBB] =	sst s10  }
0x32: {  	s10 =	sld [smem:$0x3FB9];
	_ =	sdelay $0x3  }
0x33: {  	p0 =	seq.s32 s10, $0x1;
	s10 =	sld [smem:$0x3FBB];
	_ =	sdelay $0x3  }
0x34: {  	[smem:$0x3FBB] =	sst s10  }
0x35: {  	s10 =	sld [smem:$0x3FBA];
	_ =	sdelay $0x3  }
0x36: {  	p1 =	seq.s32 s10, $0x1;
	s10 =	sld [smem:$0x3FBB];
	_ =	sdelay $0x3  }
0x37: {  	[smem:$0x3FBB] =	sst s10  }
0x38: {  	s10 =	sld [smem:$0x3FBC]  }
0x39: {  	_ = 	snop;
	(pc) =	sbr.ind lr, $3  }
0x3a: {  	_ = 	snop  }
0x3b: {  	_ = 	snop  }
0x3c: {  	p2 =	seq.s32 s10, $0x1;
	s10 =	sld [smem:$0x3FBB]  }
0x3d: {  	_ =	shalt  }
0x3e: {  	_ =	shalt  }
0x3f: {  	_ =	shalt  }
0x40: {  	_ =	shalt  }
0x41: {  	_ =	shalt  }
0x42: {  	_ =	shalt  }
0x43: {  	_ =	shalt  }
0x44: {  	_ =	shalt  }
0x45: {  	_ =	shalt  }
0x46: {  	_ =	shalt  }
0x47: {  	_ =	shalt  }
0x48: {  	_ =	shalt  }
0x49: {  	_ =	shalt  }
0x4a: {  	_ =	shalt  }
0x4b: {  	_ =	shalt  }
0x4c: {  	_ =	shalt  }
0x4d: {  	_ =	shalt  }
0x4e: {  	_ =	shalt  }
0x4f: {  	_ =	shalt  }
0x50: {  	_ =	shalt  }
0x51: {  	_ =	shalt  }
0x52: {  	_ =	shalt  }
0x53: {  	_ =	shalt  }
0x54: {  	_ =	shalt  }
0x55: {  	_ =	shalt  }
0x56: {  	_ =	shalt  }
0x57: {  	_ =	shalt  }
0x58: {  	_ =	shalt  }
0x59: {  	_ =	shalt  }
0x5a: {  	_ =	shalt  }
0x5b: {  	_ =	shalt  }
0x5c: {  	_ =	shalt  }
0x5d: {  	_ =	shalt  }
0x5e: {  	_ =	shalt  }
0x5f: {  	_ =	shalt  }
0x60: {  	_ =	shalt  }
0x61: {  	_ =	shalt  }
0x62: {  	_ =	shalt  }
0x63: {  	_ =	shalt  }
0x64: {  	_ =	shalt  }
0x65: {  	_ =	shalt  }
0x66: {  	_ =	shalt  }
0x67: {  	_ =	shalt  }
0x68: {  	_ =	shalt  }
0x69: {  	_ =	shalt  }
0x6a: {  	_ =	shalt  }
0x6b: {  	_ =	shalt  }
0x6c: {  	_ =	shalt  }
0x6d: {  	_ =	shalt  }
0x6e: {  	_ =	shalt  }
0x6f: {  	_ =	shalt  }
0x70: {  	_ =	shalt  }
0x71: {  	_ =	shalt  }
0x72: {  	_ =	shalt  }
0x73: {  	_ =	shalt  }
0x74: {  	_ =	shalt  }
0x75: {  	_ =	shalt  }
0x76: {  	_ =	shalt  }
0x77: {  	_ =	shalt  }
0x78: {  	_ =	shalt  }
0x79: {  	_ =	shalt  }
0x7a: {  	_ =	shalt  }
0x7b: {  	_ =	shalt  }
0x7c: {  	_ =	shalt  }
0x7d: {  	_ =	shalt  }
0x7e: {  	_ =	shalt  }
0x7f: {  	_ =	shalt  }
0x80: {  	_ =	shalt  }
0x81: {  	_ =	shalt  }
0x82: {  	_ =	shalt  }
0x83: {  	_ =	shalt  }
0x84: {  	_ =	shalt  }
0x85: {  	_ =	shalt  }
0x86: {  	_ =	shalt  }
0x87: {  	_ =	shalt  }
.Lfunc_end0:
.L_simem_size_0:
called_computation_lowered:
.L_overlay_start_0:
0x88: {  	s2 =	sld [smem:$0x3FD9]  }
0x89: {  	s3 =	sld [smem:$0x3FFE];
	_ =	sdelay $0x1  }
0x8a: {  	s1 =	srdreg.scid  }
0x8b: {  	s0 =	sand.u32 $0x1, s1  }
0x8c: {  	s18 =	sshll.u32 s0, $0xA;
	s2 =	sadd.s32 s3, s2  }
0x8d: {  	s2 =	sadd.s32 s2, s18  }
0x8e: {  	[smem:$0x3FC7] =	sst s2  }
0x8f: {  	_ = 	snop  }
0x90: {  	s2 =	sld [smem:$0x3FC9]  }
0x91: {  	s19 =	sld [smem:$0x3FD0];
	(tm) =	ssettm $0x1  }
0x92: {  	s4 =	sld [smem:$0x3FFB];
	_ =	sdelay $0x3  }
0x93: {  	_ =	strace s4  }
0x94: {  	s4 =	sld [smem:$0x3FFC];
	_ =	sdelay $0x3  }
0x95: {  	_ =	strace s4  }
0x96: {  	s4 =	sld [smem:$0x3FFD];
	_ =	sdelay $0x3  }
0x97: {  	_ =	strace s4  }
0x98: {  	_ =	strace $0x8FFFFFFF  }
0x99: {  	s20 =	sld [smem:$0x3FDB];
	_ =	sdelay $0x1  }
0x9a: {  	s5 =	simm.s32 $_scs_section_size  }
0x9b: {  	s6 =	simm.s32 $_size__tile_overlayer_lowered;
	s7 =	simm.s32 $_tile_overlayer_lowered  }
0x9c: {  	s23 =	simm.s32 $0x1BFF;
	s22 =	sshll.u32 s7, $0x1;
	s4 =	sadd.s32 s5, s20  }
0x9d: {  	s8 =	simm.s32 $0x0;
	s21 =	sshll.u32 s6, $0x1;
	s6 =	sadd.s32 s22, s4  }
0x9e: {  	[timem:s8], [sflag:s23] =	dma.local [hbm:s6], s21  }
0x9f: {  	_ =	swait.ge [sflag:s23], s21  }
0xa0: {  	s5 =	ssub.s32 $0x0, s21;
	[sflag:s23] =	ssyncset.done $0x0  }
0xa1: {  	[sflag:s23] =	ssyncadd.s32 s5;
	_ =	sdelay $0x1  }
0xa2: {  	s24 =	simm.s32 $0x1B8B  }
0xa3: {  	_ =	swait.ge [sflag:s24], $0x1  }
0xa4: {  	[sflag:s24] =	ssyncset.done $0x0  }
0xa5: {  	s25 =	simm.s32 $0x1B8E;
	[sflag:s24] =	ssyncadd.s32 $0xFFFFFFFF  }
0xa6: {  	s26 =	simm.s32 $execute0_lowered;
	[smem:$0x3FD2] =	sst s25  }
0xa7: {  	s5 =	sshll.u32 s26, $0x1;
	_ =	strace $0x80000046;
	[dreg:$0x1] =	wrdreg $0xFFFFFFFF  }
0xa8: {  	s28 =	simm.s32 $_size_execute0_lowered;
	s4 =	sadd.s32 s4, s5;
	[dreg:$0x0] =	wrdreg $0x0  }
0xa9: {  	s5 =	sshll.u32 s28, $0x1;
	[dreg:$0x2] =	wrdreg s4  }
0xaa: {  	[dreg:$0x3] =	wrdreg s5  }
0xab: {  	[dreg:$0x4] =	wrdreg $0xC0  }
0xac: {  	_ =	task [dreg:s8], $0x5FFFF  }
0xad: {  	[dreg:$0x1] =	wrdreg $0xFFFFFFFF  }
0xae: {  	[dreg:$0x0] =	wrdreg $0x60  }
0xaf: {  	[dreg:$0x2] =	wrdreg s2  }
0xb0: {  	[dreg:$0x3] =	wrdreg s19  }
0xb1: {  	[dreg:$0x4] =	wrdreg $0x9  }
0xb2: {  	_ =	task.clear_ibuf [dreg:s8], $0x5FFFF;
	_ =	strace $0x90000046  }
0xb3: {  	s29 =	simm.s32 $0x9;
	_ =	strace $0x80000048  }
0xb4: {  	_ =	swait.ge [sflag:s29], $0x1  }
0xb5: {  	[sflag:s29] =	ssyncadd.s32 $0xFFFFFFFF  }
0xb6: {  	_ =	strace $0x90000048  }
0xb7: {  	_ =	sfence  }
0xb8: {  	s30 =	sld [smem:$0x0];
	_ =	sdelay $0x2  }
0xb9: {  	s31 =	sshll.u32 s1, $0xD;
	s1 =	sshrl.u32 s1, $0x2  }
0xba: {  	s3 =	sand.u32 $0x4000, s31;
	s1 =	sadd.s32 s1, s30  }
0xbb: {  	s0 =	sor.u32 s3, s0;
	s1 =	sshll.u32 s1, $0x11  }
0xbc: {  	s0 =	sor.u32 s1, s0  }
0xbd: {  	s0 =	sadd.s32 $0x8F2B, s0  }
0xbe: {  	[sflag:s0] =	ssyncadd.remote.s32 $0x1  }
0xbf: {  	_ =	sfence.sel $0xFFFF  }
0xc0: {  	[dreg:$0x0] =	wrdreg $0xFFFFFFFF;
	(pc) =	sbr.abs _section_cstart, $3  }
0xc1: {  	[dreg:$0x1] =	wrdreg $0xFFFFFFFF  }
0xc2: {  	_ =	task.clear_ibuf [dreg:s8], $0x2FFFF;
	_ =	strace $0x9FFFFFFF  }
0xc3: {  	(tm) =	ssettm $0x7FFFFFFF  }
tec
execute0_lowered:
.L_overlay_start_1:
0x0: {  	(tag) =	ssettag $0x1  }
0x1: {  	s11 =	rddreg [dreg:$0x0]  }
0x2: {  	s16 =	rddreg [dreg:$0x1];
	s2 =	srdreg.scid  }
0x3: {  	s0 =	rddreg [dreg:$0x2];
	s1 =	stileid.u32;
	s18 =	sand.u32 $0x1, s2  }
0x4: {  	s2 =	simm.s32 $0x0;
	s4 =	sshll.u32 s1, $0xE;
	s3 =	sshll.u32 s18, $0x12  }
0x5: {  	[smem:$0x7FF] =	sst s2;
	s12 =	sor.u32 s4, s3  }
0x6: {  	_ =	strace $0x80000047;
	s3 =	sadd.s32 s11, s12;
	s13 =	sor.u32 $0x1000, s12  }
0x7: {  	[tilespmem:s2], [sflag:$0x1] =	stream.linear.gather [hbm4b:s3+s2], $0x8000, $0x38;
	[tilespmem:$0x18000] =	vst v63  }
0x8: {  	s5 =	simm.s32 $0x8000;
	s15 =	sor.u32 $0x2000, s12;
	s4 =	sadd.s32 s11, s13  }
0x9: {  	[tilespmem:s5], [sflag:$0x2] =	stream.linear.gather [hbm4b:s4+s2], $0x8000, $0x38;
	[tilespmem:$0x18000] =	vst v63  }
0xa: {  	s7 =	simm.s32 $0x10000;
	s8 =	simm.s32 $0x1;
	s6 =	sadd.s32 s11, s15  }
0xb: {  	[tilespmem:s7], [sflag:$0x3] =	stream.linear.gather [hbm4b:s6+s2], $0x8000, $0x38;
	[tilespmem:$0x18000] =	vst v63  }
0xc: {  	_ =	swait.ge [sflag:s8], $0x8000  }
0xd: {  	[sflag:s8] =	ssyncset.done $0x0  }
0xe: {  	s9 =	simm.s32 $0x4;
	s10 =	sadd.s32 s16, s12;
	[sflag:s8] =	ssyncadd.s32 $0xFFFF8000  }
0xf: {  	[hbm4b:s10+s2] =	stream.linear.scatter [tilespmem:s2], [sflag:$0x4], $0x8000, $0x38;
	[tilespmem:$0x18000] =	vst v63  }
0x10: {  	_ =	swait.ge [sflag:s9], $0x8000  }
0x11: {  	s17 =	sor.u32 $0x3000, s12;
	[sflag:s9] =	ssyncset.done $0x0  }
0x12: {  	s12 =	simm.s32 $0x2;
	s11 =	sadd.s32 s11, s17;
	[sflag:s9] =	ssyncadd.s32 $0xFFFF8000  }
0x13: {  	[tilespmem:s2], [sflag:$0x1] =	stream.linear.gather [hbm4b:s11+s2], $0x8000, $0x38;
	[tilespmem:$0x18000] =	vst v63  }
0x14: {  	_ =	swait.ge [sflag:s12], $0x8000  }
0x15: {  	[sflag:s12] =	ssyncset.done $0x0  }
0x16: {  	s14 =	simm.s32 $0x3;
	s13 =	sadd.s32 s16, s13;
	[sflag:s12] =	ssyncadd.s32 $0xFFFF8000  }
0x17: {  	[hbm4b:s13+s2] =	stream.linear.scatter [tilespmem:s5], [sflag:$0x5], $0x8000, $0x38;
	[tilespmem:$0x18000] =	vst v63  }
0x18: {  	_ =	swait.ge [sflag:s14], $0x8000  }
0x19: {  	[sflag:s14] =	ssyncset.done $0x0  }
0x1a: {  	s15 =	sadd.s32 s16, s15;
	[sflag:s14] =	ssyncadd.s32 $0xFFFF8000  }
0x1b: {  	[hbm4b:s15+s2] =	stream.linear.scatter [tilespmem:s7], [sflag:$0x6], $0x8000, $0x38;
	[tilespmem:$0x18000] =	vst v63  }
0x1c: {  	s19 =	ssub.s32 $0x2, s18;
	_ =	swait.ge [sflag:s8], $0x8000  }
0x1d: {  	s20 =	sshrl.u32 s19, $0x1;
	[sflag:s8] =	ssyncset.done $0x0  }
0x1e: {  	s16 =	sadd.s32 s16, s17;
	s17 =	simm.s32 $0x5;
	[sflag:s8] =	ssyncadd.s32 $0xFFFF8000  }
0x1f: {  	[hbm4b:s16+s2] =	stream.linear.scatter [tilespmem:s2], [sflag:$0x4], $0x8000, $0x38;
	[tilespmem:$0x18000] =	vst v63  }
0x20: {  	s19 =	ssub.s32 s19, s20;
	_ =	swait.ge [sflag:s17], $0x8000  }
0x21: {  	s19 =	smax.u32 s19, $0x1;
	[sflag:s17] =	ssyncset.done $0x0  }
0x22: {  	s18 =	simm.s32 $0x6;
	p0 =	sne.s32 s19, $0x1;
	[sflag:s17] =	ssyncadd.s32 $0xFFFF8000  }
.Ltmp0:
0x23: {  	_ =	swait.ge [sflag:s18], $0x8000;
	(pc) =	sbr.rel @!p0 .LBB2_2-.Ltmp0, $4  }
0x24: {  	[sflag:s18] =	ssyncset.done $0x0  }
0x25: {  	[sflag:s18] =	ssyncadd.s32 $0xFFFF8000  }
0x26: {  	_ =	swait.ge [sflag:s9], $0x8000  }
0x27: {  	s19 =	sadd.s32 $0xFFFFFFFF, s19;
	[sflag:s9] =	ssyncset.done $0x0  }
.LBB2_1:
0x28: {  	p0 =	sne.s32 s19, $0x1;
	s19 =	sadd.s32 $0xFFFFFFFF, s19;
	[sflag:s9] =	ssyncadd.s32 $0xFFFF8000  }
0x29: {  	[tilespmem:s2], [sflag:$0x1] =	stream.linear.gather [hbm4b:s3+s2], $0x8000, $0x38;
	[tilespmem:$0x18000] =	vst v63  }
0x2a: {  	_ = 	snop  }
0x2b: {  	[tilespmem:s5], [sflag:$0x2] =	stream.linear.gather [hbm4b:s4+s2], $0x8000, $0x38;
	[tilespmem:$0x18000] =	vst v63  }
0x2c: {  	_ = 	snop  }
0x2d: {  	[tilespmem:s7], [sflag:$0x3] =	stream.linear.gather [hbm4b:s6+s2], $0x8000, $0x38;
	[tilespmem:$0x18000] =	vst v63  }
0x2e: {  	_ =	swait.ge [sflag:s8], $0x8000  }
0x2f: {  	[sflag:s8] =	ssyncset.done $0x0  }
0x30: {  	[sflag:s8] =	ssyncadd.s32 $0xFFFF8000  }
0x31: {  	[hbm4b:s10+s2] =	stream.linear.scatter [tilespmem:s2], [sflag:$0x4], $0x8000, $0x38;
	[tilespmem:$0x18000] =	vst v63  }
0x32: {  	_ =	swait.ge [sflag:s9], $0x8000  }
0x33: {  	[sflag:s9] =	ssyncset.done $0x0  }
0x34: {  	[sflag:s9] =	ssyncadd.s32 $0xFFFF8000  }
0x35: {  	[tilespmem:s2], [sflag:$0x1] =	stream.linear.gather [hbm4b:s11+s2], $0x8000, $0x38;
	[tilespmem:$0x18000] =	vst v63  }
0x36: {  	_ =	swait.ge [sflag:s12], $0x8000  }
0x37: {  	[sflag:s12] =	ssyncset.done $0x0  }
0x38: {  	[sflag:s12] =	ssyncadd.s32 $0xFFFF8000  }
0x39: {  	[hbm4b:s13+s2] =	stream.linear.scatter [tilespmem:s5], [sflag:$0x5], $0x8000, $0x38;
	[tilespmem:$0x18000] =	vst v63  }
0x3a: {  	_ =	swait.ge [sflag:s14], $0x8000  }
0x3b: {  	[sflag:s14] =	ssyncset.done $0x0  }
0x3c: {  	[sflag:s14] =	ssyncadd.s32 $0xFFFF8000  }
0x3d: {  	[hbm4b:s15+s2] =	stream.linear.scatter [tilespmem:s7], [sflag:$0x6], $0x8000, $0x38;
	[tilespmem:$0x18000] =	vst v63  }
0x3e: {  	_ =	swait.ge [sflag:s8], $0x8000  }
0x3f: {  	[sflag:s8] =	ssyncset.done $0x0  }
0x40: {  	[sflag:s8] =	ssyncadd.s32 $0xFFFF8000  }
0x41: {  	[hbm4b:s16+s2] =	stream.linear.scatter [tilespmem:s2], [sflag:$0x4], $0x8000, $0x38;
	[tilespmem:$0x18000] =	vst v63  }
0x42: {  	_ =	swait.ge [sflag:s17], $0x8000  }
0x43: {  	[sflag:s17] =	ssyncset.done $0x0  }
0x44: {  	[sflag:s17] =	ssyncadd.s32 $0xFFFF8000  }
.Ltmp1:
0x45: {  	_ =	swait.ge [sflag:s18], $0x8000;
	(pc) =	sbr.rel @p0 .LBB2_1-.Ltmp1, $4  }
0x46: {  	[sflag:s18] =	ssyncset.done $0x0  }
0x47: {  	[sflag:s18] =	ssyncadd.s32 $0xFFFF8000  }
0x48: {  	_ =	swait.ge [sflag:s9], $0x8000  }
0x49: {  	[sflag:s9] =	ssyncset.done $0x0  }
.LBB2_2:
0x4a: {  	[sflag:s9] =	ssyncadd.s32 $0xFFFF8000  }
0x4b: {  	_ =	sfence.sel $0x180000  }
0x4c: {  	[bflag:$0x0] =	sbarrier.arrive $0xFFFF  }
0x4d: {  	p0 =	sne.s32 s1, $0x0;
	_ =	strace $0x90000047  }
0x4e: {  	s0 =	sadd.s32 @!p0 $0x100000, s0;
	[bflag:$0x2] =	sbarrier.arrive $0xFFFF  }
0x4f: {  	[sflag:s0] =	ssyncadd.tile.s32 @!p0 $0x1;
	_ =	shalt  }
.Lfunc_end2:
_tile_overlayer_lowered:
.L_overlay_start_2:
0x50: {  	(tag) =	ssettag $0x2  }
0x51: {  	s0 =	rddreg [dreg:$0x0];
	s2 =	stileid.u32  }
0x52: {  	s1 =	rddreg [dreg:$0x1];
	p0 =	sne.s32 s2, $0x0  }
0x53: {  	s3 =	rddreg [dreg:$0x2];
	[bflag:$0x3] =	sbarrier.arrive $0xFFFF;
	s2 =	simm.s32 @!p0 $0x1C07  }
0x54: {  	[timem:s3], [sflag:s2] =	dma.local @!p0 [hbm:s0], s1  }
0x55: {  	s0 =	simm.s32 @!p0 $0x7  }
0x56: {  	_ =	swait.ge @!p0 [sflag:s0], s1  }
0x57: {  	s1 =	ssub.s32 @!p0 $0x0, s1;
	[sflag:s0] =	ssyncset.done @!p0 $0x0  }
0x58: {  	[sflag:s0] =	ssyncadd.s32 @!p0 s1  }
0x59: {  	[bflag:$0x3] =	sbarrier.arrive $0xFFFF  }
0x5a: {  	_ =	shalt  }

</sc_bundles>
